<compile_context>
chip_gen: v7x
topology: tpu7x:2x2x1
jax: 0.10.2.dev20260603
libtpu: 0.0.44.dev20260713+nightly
codegen_flags: <defaults>
</compile_context>

<pallas_src>
import numpy as np
import jax
import jax.numpy as jnp
from jax.experimental import pallas as pl
from jax.experimental.pallas import tpu as pltpu

_ANCHOR_SIZES = [128, 256, 512]
_ANCHOR_RATIOS = [0.5, 1, 2]
_STRIDE = 32
_N_TOP = 2000
_N_PAD = 2048
_MAX_OUT = 300
_KEEP_PAD = 384
_NMS_THRESH = 0.7


def _anchor_table():
    flat = []
    for y in range(8):
        for x in range(8):
            for size in _ANCHOR_SIZES:
                for ratio in _ANCHOR_RATIOS:
                    cx, cy = _STRIDE * (x + 0.5), _STRIDE * (y + 0.5)
                    h = size * np.sqrt(1.0 / ratio)
                    w = size * np.sqrt(ratio)
                    flat.append([cx - 0.5 * w, cy - 0.5 * h,
                                 cx + 0.5 * w, cy + 0.5 * h])
    flat = np.array(flat, np.float32)
    A = np.zeros((64, 9, 4), np.float32)
    for a in range(9):
        for pos in range(64):
            box = flat[a * 64 + pos]
            A[pos, a] = (box[0], box[1], box[2] - box[0], box[3] - box[1])
    return A.reshape(64, 36)


def _rpn_kernel(xp_ref, w_ref, cb_ref, cw_ref, clb_ref, bw_ref, bbb_ref,
                anc_ref, scores_ref, pred_ref, acc_ref):
    k = pl.program_id(0)

    @pl.when(k == 0)
    def _init():
        acc_ref[...] = jnp.zeros_like(acc_ref)

    s = jnp.zeros((256, 512), jnp.float32)
    for dy in range(3):
        for dx in range(3):
            xs = xp_ref[:, dy:dy + 8, dx:dx + 8, :].reshape(256, 128)
            wk = w_ref[dy, dx]
            s = s + jax.lax.dot_general(
                xs, wk, (((1,), (1,)), ((), ())),
                preferred_element_type=jnp.float32)
    acc_ref[...] += s

    @pl.when(k == pl.num_programs(0) - 1)
    def _finish():
        feat = acc_ref[...] + cb_ref[...]
        obj = jax.lax.dot_general(
            feat, cw_ref[...], (((1,), (0,)), ((), ())),
            preferred_element_type=jnp.float32) + clb_ref[...]
        dl = jax.lax.dot_general(
            feat, bw_ref[...], (((1,), (0,)), ((), ())),
            preferred_element_type=jnp.float32) + bbb_ref[...]
        scores_ref[...] = obj

        A = anc_ref[...].reshape(256, 9, 4)
        d = dl.reshape(256, 9, 4)
        ex = A[..., 0]
        ey = A[..., 1]
        ew = A[..., 2]
        eh = A[..., 3]
        pcx = ex + d[..., 0] * ew
        pcy = ey + d[..., 1] * eh
        pw = jnp.exp(d[..., 2]) * ew
        ph = jnp.exp(d[..., 3]) * eh
        pred = jnp.stack([pcx - 0.5 * pw, pcy - 0.5 * ph,
                          pcx + 0.5 * pw, pcy + 0.5 * ph], axis=-1)
        pred_ref[...] = pred.reshape(256, 36)


def _nms_kernel(boxes_ref, keep_ref):
    b = boxes_ref[...]
    x1 = b[0:1, :]
    y1 = b[1:2, :]
    x2 = b[2:3, :]
    y2 = b[3:4, :]
    areas = (x2 - x1) * (y2 - y1)
    lane = jax.lax.broadcasted_iota(jnp.int32, (1, _N_PAD), 1)
    lane_k = jax.lax.broadcasted_iota(jnp.int32, (1, _KEEP_PAD), 1)

    def body(i, carry):
        supp, keepv, cnt = carry
        sel = (lane == i).astype(jnp.float32)
        xi1 = jnp.sum(x1 * sel)
        yi1 = jnp.sum(y1 * sel)
        xi2 = jnp.sum(x2 * sel)
        yi2 = jnp.sum(y2 * sel)
        ai = (xi2 - xi1) * (yi2 - yi1)
        si = jnp.sum(supp * sel)
        valid = si < 0.5
        xx1 = jnp.maximum(x1, xi1)
        yy1 = jnp.maximum(y1, yi1)
        xx2 = jnp.minimum(x2, xi2)
        yy2 = jnp.minimum(y2, yi2)
        w = jnp.maximum(xx2 - xx1, 0.0)
        h = jnp.maximum(yy2 - yy1, 0.0)
        inter = w * h
        iou = inter / (areas + ai - inter + 1e-9)
        do_keep = valid & (cnt < _MAX_OUT)
        keepv = jnp.where(do_keep & (lane_k == cnt), i, keepv)
        cnt = cnt + jnp.where(valid, jnp.int32(1), jnp.int32(0))
        newsup = (valid & (iou > _NMS_THRESH) & (lane > i)).astype(jnp.float32)
        supp = jnp.maximum(supp, newsup)
        return supp, keepv, cnt

    supp0 = jnp.zeros((1, _N_PAD), jnp.float32)
    keep0 = jnp.zeros((1, _KEEP_PAD), jnp.int32)
    _, keepv, _ = jax.lax.fori_loop(0, _N_TOP, body,
                                    (supp0, keep0, jnp.int32(0)))
    keep_ref[...] = keepv


@jax.jit
def kernel(x, conv_w, conv_b, cls_w, cls_b, bbox_w, bbox_b):
    xpad = jnp.pad(x.transpose(0, 2, 3, 1),
                   ((0, 0), (1, 1), (1, 1), (0, 0)))
    w2 = conv_w.transpose(2, 3, 0, 1)
    cw = cls_w.reshape(18, 512).T
    bw = bbox_w.reshape(36, 512).T
    anc = jnp.asarray(np.tile(_anchor_table(), (4, 1)))

    scores2, pred2 = pl.pallas_call(
        _rpn_kernel,
        grid=(16,),
        in_specs=[
            pl.BlockSpec((4, 10, 10, 128), lambda k: (0, 0, 0, k)),
            pl.BlockSpec((3, 3, 512, 128), lambda k: (0, 0, 0, k)),
            pl.BlockSpec((1, 512), lambda k: (0, 0)),
            pl.BlockSpec((512, 18), lambda k: (0, 0)),
            pl.BlockSpec((1, 18), lambda k: (0, 0)),
            pl.BlockSpec((512, 36), lambda k: (0, 0)),
            pl.BlockSpec((1, 36), lambda k: (0, 0)),
            pl.BlockSpec((256, 36), lambda k: (0, 0)),
        ],
        out_specs=[pl.BlockSpec((256, 18), lambda k: (0, 0)),
                   pl.BlockSpec((256, 36), lambda k: (0, 0))],
        out_shape=[jax.ShapeDtypeStruct((256, 18), jnp.float32),
                   jax.ShapeDtypeStruct((256, 36), jnp.float32)],
        scratch_shapes=[pltpu.VMEM((256, 512), jnp.float32)],
    )(xpad, w2, conv_b.reshape(1, 512), cw, cls_b.reshape(1, 18),
      bw, bbox_b.reshape(1, 36), anc)

    scores = scores2.reshape(4, 64, 18).transpose(0, 2, 1).reshape(-1)
    pred = pred2.reshape(4, 64, 36).transpose(0, 2, 1).reshape(4, 36, 8, 8)

    anchors_flat = pred.reshape(-1, 4)
    _, top_idx = jax.lax.top_k(scores, _N_TOP)
    tb = anchors_flat[jnp.clip(top_idx, 0, anchors_flat.shape[0] - 1)]
    boxes_t = jnp.zeros((4, _N_PAD), jnp.float32).at[:, :_N_TOP].set(tb.T)

    keepv = pl.pallas_call(
        _nms_kernel,
        out_shape=jax.ShapeDtypeStruct((1, _KEEP_PAD), jnp.int32),
    )(boxes_t)
    keep = keepv[0, :_MAX_OUT]
    final = pred[jnp.clip(keep, 0, 3)]
    return final

# --- scband reference (transcript-rebuilt; emitter-appended) ---
"""Pipeline reference for scband-rpn-16956530884755 (READ-ONLY COPY).

The authoritative reference and input builder live on the scoring server;
editing this copy changes nothing except your own understanding.
"""

import jax, jax.numpy as jnp
import numpy as np

ANCHOR_SIZES = [128, 256, 512]
ANCHOR_RATIOS = [0.5, 1, 2]
STRIDE = 32
FM = (8, 8)
PRE_NMS_TOP_N = 2000
POST_NMS_TOP_N = 300
NMS_THRESH = 0.7


def generate_anchors():
    anchors = []
    for y in range(FM[0]):
        for x in range(FM[1]):
            for size in ANCHOR_SIZES:
                for ratio in ANCHOR_RATIOS:
                    cx, cy = STRIDE * (x + 0.5), STRIDE * (y + 0.5)
                    h = size * np.sqrt(1.0 / ratio)
                    w = size * np.sqrt(ratio)
                    anchors.append([cx - 0.5 * w, cy - 0.5 * h, cx + 0.5 * w, cy + 0.5 * h])
    return jnp.asarray(np.array(anchors, dtype=np.float32))


def conv2d(x, w, b, pad):
    out = jax.lax.conv_general_dilated(x, w, (1, 1), [(pad, pad), (pad, pad)],
                                       dimension_numbers=('NCHW', 'OIHW', 'NCHW'))
    return out + b[None, :, None, None]


def iou_matrix(boxes):
    x1, y1, x2, y2 = boxes[:, 0], boxes[:, 1], boxes[:, 2], boxes[:, 3]
    area = (x2 - x1) * (y2 - y1)
    xx1 = jnp.maximum(x1[:, None], x1[None, :])
    yy1 = jnp.maximum(y1[:, None], y1[None, :])
    xx2 = jnp.minimum(x2[:, None], x2[None, :])
    yy2 = jnp.minimum(y2[:, None], y2[None, :])
    w = jnp.maximum(xx2 - xx1, 0.0)
    h = jnp.maximum(yy2 - yy1, 0.0)
    inter = w * h
    return inter / (area[:, None] + area[None, :] - inter + 1e-9)


def nms(boxes, scores, thresh, max_out):
    n = boxes.shape[0]
    order = jnp.argsort(-scores)
    b = boxes[order]
    ious = iou_matrix(b)
    suppressed = jnp.zeros((n,), dtype=bool)
    keep = jnp.zeros((max_out,), dtype=jnp.int32)
    idx_range = jnp.arange(n)

    def body(i, state):
        suppressed, keep, cnt = state
        valid = jnp.logical_not(suppressed[i])
        do_keep = valid & (cnt < max_out)
        keep = jnp.where(do_keep, keep.at[cnt].set(order[i].astype(jnp.int32)), keep)
        cnt = cnt + jnp.where(valid, jnp.int32(1), jnp.int32(0))
        suppressed = suppressed | (valid & (ious[i] > thresh) & (idx_range > i))
        return (suppressed, keep, cnt)

    suppressed, keep, cnt = jax.lax.fori_loop(0, n, body, (suppressed, keep, jnp.int32(0)))
    return keep


def setup_inputs(seed: int = 0) -> dict:
    key = jax.random.key(seed)
    ks = jax.random.split(key, 7)
    x = jax.random.normal(ks[0], (4, 2048, 8, 8), dtype=jnp.float32)
    conv_w = 0.01 * jax.random.normal(ks[1], (512, 2048, 3, 3), dtype=jnp.float32)
    conv_b = jnp.zeros((512,), dtype=jnp.float32)
    cls_w = 0.01 * jax.random.normal(ks[2], (18, 512, 1, 1), dtype=jnp.float32)
    cls_b = jnp.zeros((18,), dtype=jnp.float32)
    bbox_w = 0.01 * jax.random.normal(ks[3], (36, 512, 1, 1), dtype=jnp.float32)
    bbox_b = jnp.zeros((36,), dtype=jnp.float32)
    return {"x": x, "conv_w": conv_w, "conv_b": conv_b, "cls_w": cls_w,
            "cls_b": cls_b, "bbox_w": bbox_w, "bbox_b": bbox_b}


def reference(x, conv_w, conv_b, cls_w, cls_b, bbox_w, bbox_b):
    feat = conv2d(x, conv_w, conv_b, 1)              # [4,512,8,8]
    objectness = conv2d(feat, cls_w, cls_b, 0)       # [4,18,8,8]
    deltas = conv2d(feat, bbox_w, bbox_b, 0)         # [4,36,8,8]
    deltas_d = jax.lax.stop_gradient(deltas)         # .detach() in original
    anchors = generate_anchors()                     # [576,4]
    ea = jnp.broadcast_to(anchors.reshape(1, 9, 8, 8, 4), (4, 9, 8, 8, 4))
    ex = ea[..., 0]
    ey = ea[..., 1]
    ew = ea[..., 2] - ea[..., 0]
    eh = ea[..., 3] - ea[..., 1]
    dx = deltas_d[:, 0::4, :, :]
    dy = deltas_d[:, 1::4, :, :]
    dw = deltas_d[:, 2::4, :, :]
    dh = deltas_d[:, 3::4, :, :]
    pcx = ex + dx * ew
    pcy = ey + dy * eh
    pw = jnp.exp(dw) * ew
    ph = jnp.exp(dh) * eh
    pred = jnp.zeros_like(deltas_d)
    pred = pred.at[:, 0::4, :, :].set(pcx - 0.5 * pw)
    pred = pred.at[:, 1::4, :, :].set(pcy - 0.5 * ph)
    pred = pred.at[:, 2::4, :, :].set(pcx + 0.5 * pw)
    pred = pred.at[:, 3::4, :, :].set(pcy + 0.5 * ph)
    # filter_anchors (note: original torch code has out-of-bounds indexing bugs;
    # JAX gather clamps indices, mirrored explicitly with jnp.clip)
    scores = objectness.reshape(-1)                  # 4608 scores
    anchors_flat = pred.reshape(-1, 4)               # 2304 boxes
    pre_n = min(PRE_NMS_TOP_N, scores.shape[0])
    sorted_idx = jnp.argsort(-scores)
    top_idx = sorted_idx[:pre_n]
    top_boxes = anchors_flat[jnp.clip(top_idx, 0, anchors_flat.shape[0] - 1)]
    top_scores = scores[top_idx]
    keep = nms(top_boxes, top_scores, NMS_THRESH, POST_NMS_TOP_N)
    final = pred[jnp.clip(keep, 0, pred.shape[0] - 1)]  # [300,36,8,8]
    return final

if __name__ == "__main__":
    import jax
    _d = setup_inputs()
    print(jax.jit(kernel)(*tuple(_d.values())))

</pallas_src>

<mosaic_0001>
module attributes {stable_mosaic.version = 14 : i64} {
  func.func @_rpn_kernel(%arg0: i32, %arg1: memref<4x10x10x128xf32, #tpu.memory_space<vmem>>, %arg2: memref<3x3x512x128xf32, #tpu.memory_space<vmem>>, %arg3: memref<1x512xf32, #tpu.memory_space<vmem>>, %arg4: memref<512x18xf32, #tpu.memory_space<vmem>>, %arg5: memref<1x18xf32, #tpu.memory_space<vmem>>, %arg6: memref<512x36xf32, #tpu.memory_space<vmem>>, %arg7: memref<1x36xf32, #tpu.memory_space<vmem>>, %arg8: memref<256x36xf32, #tpu.memory_space<vmem>>, %arg9: memref<256x18xf32, #tpu.memory_space<vmem>>, %arg10: memref<256x36xf32, #tpu.memory_space<vmem>>, %arg11: memref<256x512xf32, #tpu.memory_space<vmem>>) attributes {dimension_semantics = [#tpu.dimension_semantics<arbitrary>], iteration_bounds = array<i64: 16>, scalar_prefetch = 0 : i64, scratch_operands = 1 : i64, tpu.core_type = #tpu.core_type<tc>, window_params = [{transform_indices = @transform_0, window_bounds = array<i64: 4, 10, 10, 128>}, {transform_indices = @transform_1, window_bounds = array<i64: 3, 3, 512, 128>}, {pipeline_mode = #tpu.pipeline_mode<synchronous>, transform_indices = @transform_2, window_bounds = array<i64: 1, 512>}, {pipeline_mode = #tpu.pipeline_mode<synchronous>, transform_indices = @transform_3, window_bounds = array<i64: 512, 18>}, {pipeline_mode = #tpu.pipeline_mode<synchronous>, transform_indices = @transform_4, window_bounds = array<i64: 1, 18>}, {pipeline_mode = #tpu.pipeline_mode<synchronous>, transform_indices = @transform_5, window_bounds = array<i64: 512, 36>}, {pipeline_mode = #tpu.pipeline_mode<synchronous>, transform_indices = @transform_6, window_bounds = array<i64: 1, 36>}, {pipeline_mode = #tpu.pipeline_mode<synchronous>, transform_indices = @transform_7, window_bounds = array<i64: 256, 36>}, {pipeline_mode = #tpu.pipeline_mode<synchronous>, transform_indices = @transform_8, window_bounds = array<i64: 256, 18>}, {pipeline_mode = #tpu.pipeline_mode<synchronous>, transform_indices = @transform_9, window_bounds = array<i64: 256, 36>}]} {
    %eq3A = arith.constant 0 : i32
    %eq3A_0 = arith.cmpi eq, %arg0, %eq3A : i32
    %convert_element_type3A = arith.extui %eq3A_0 : i1 to i32
    %cond3A = arith.constant 0 : i32
    %cond3A_1 = arith.cmpi ne, %convert_element_type3A, %cond3A : i32
    scf.if %cond3A_1 {
      %broadcast_in_dim3A_145 = arith.constant 0.000000e+00 : f32
      %broadcast_in_dim3A_146 = vector.broadcast %broadcast_in_dim3A_145 : f32 to vector<256x512xf32>
      %swap3A_147 = arith.constant 0 : index
      %swap3A_148 = arith.constant 0 : index
      %swap3A_149 = vector.load %arg11[%swap3A_147, %swap3A_148] : memref<256x512xf32, #tpu.memory_space<vmem>>, vector<256x512xf32>
      tpu.vector_store %arg11[%swap3A_147, %swap3A_148], %broadcast_in_dim3A_146 {strides = array<i32>} : memref<256x512xf32, #tpu.memory_space<vmem>>, vector<256x512xf32>,
    } else {
    }
    %broadcast_in_dim3A = arith.constant 0.000000e+00 : f32
    %broadcast_in_dim3A_2 = vector.broadcast %broadcast_in_dim3A : f32 to vector<256x512xf32>
    %get3A = arith.constant 0 : index
    %get3A_3 = arith.constant 0 : index
    %get3A_4 = arith.constant 0 : index
    %get3A_5 = arith.constant 0 : index
    %get3A_6 = vector.load %arg1[%get3A, %get3A_3, %get3A_4, %get3A_5] : memref<4x10x10x128xf32, #tpu.memory_space<vmem>>, vector<4x8x8x128xf32>
    %reshape3A = vector.shape_cast %get3A_6 : vector<4x8x8x128xf32> to vector<256x128xf32>
    %get3A_7 = arith.constant 0 : index
    %get3A_8 = arith.constant 0 : index
    %get3A_9 = arith.constant 0 : index
    %get3A_10 = arith.constant 0 : index
    %get3A_11 = vector.load %arg2[%get3A_7, %get3A_8, %get3A_9, %get3A_10] : memref<3x3x512x128xf32, #tpu.memory_space<vmem>>, vector<1x1x512x128xf32>
    %get3A_12 = vector.shape_cast %get3A_11 : vector<1x1x512x128xf32> to vector<512x128xf32>
    %dot_general3A = arith.constant dense<0.000000e+00> : vector<256x512xf32>
    %dot_general3A_13 = tpu.matmul %reshape3A, %get3A_12, %dot_general3A {dimension_numbers = #tpu.dot_dimension_numbers<[1], [1], [0], [0], [0, 0, 1, 0], [], []>, transpose_lhs_hint = false} : vector<256x128xf32>, vector<512x128xf32>, vector<256x512xf32> -> vector<256x512xf32>
    %add3A = arith.addf %broadcast_in_dim3A_2, %dot_general3A_13 : vector<256x512xf32>
    %get3A_14 = arith.constant 0 : index
    %get3A_15 = arith.constant 0 : index
    %get3A_16 = arith.constant 1 : index
    %get3A_17 = arith.constant 0 : index
    %get3A_18 = vector.load %arg1[%get3A_14, %get3A_15, %get3A_16, %get3A_17] : memref<4x10x10x128xf32, #tpu.memory_space<vmem>>, vector<4x8x8x128xf32>
    %reshape3A_19 = vector.shape_cast %get3A_18 : vector<4x8x8x128xf32> to vector<256x128xf32>
    %get3A_20 = arith.constant 0 : index
    %get3A_21 = arith.constant 1 : index
    %get3A_22 = arith.constant 0 : index
    %get3A_23 = arith.constant 0 : index
    %get3A_24 = vector.load %arg2[%get3A_20, %get3A_21, %get3A_22, %get3A_23] : memref<3x3x512x128xf32, #tpu.memory_space<vmem>>, vector<1x1x512x128xf32>
    %get3A_25 = vector.shape_cast %get3A_24 : vector<1x1x512x128xf32> to vector<512x128xf32>
    %dot_general3A_26 = arith.constant dense<0.000000e+00> : vector<256x512xf32>
    %dot_general3A_27 = tpu.matmul %reshape3A_19, %get3A_25, %dot_general3A_26 {dimension_numbers = #tpu.dot_dimension_numbers<[1], [1], [0], [0], [0, 0, 1, 0], [], []>, transpose_lhs_hint = false} : vector<256x128xf32>, vector<512x128xf32>, vector<256x512xf32> -> vector<256x512xf32>
    %add3A_28 = arith.addf %add3A, %dot_general3A_27 : vector<256x512xf32>
    %get3A_29 = arith.constant 0 : index
    %get3A_30 = arith.constant 0 : index
    %get3A_31 = arith.constant 2 : index
    %get3A_32 = arith.constant 0 : index
    %get3A_33 = vector.load %arg1[%get3A_29, %get3A_30, %get3A_31, %get3A_32] : memref<4x10x10x128xf32, #tpu.memory_space<vmem>>, vector<4x8x8x128xf32>
    %reshape3A_34 = vector.shape_cast %get3A_33 : vector<4x8x8x128xf32> to vector<256x128xf32>
    %get3A_35 = arith.constant 0 : index
    %get3A_36 = arith.constant 2 : index
    %get3A_37 = arith.constant 0 : index
    %get3A_38 = arith.constant 0 : index
    %get3A_39 = vector.load %arg2[%get3A_35, %get3A_36, %get3A_37, %get3A_38] : memref<3x3x512x128xf32, #tpu.memory_space<vmem>>, vector<1x1x512x128xf32>
    %get3A_40 = vector.shape_cast %get3A_39 : vector<1x1x512x128xf32> to vector<512x128xf32>
    %dot_general3A_41 = arith.constant dense<0.000000e+00> : vector<256x512xf32>
    %dot_general3A_42 = tpu.matmul %reshape3A_34, %get3A_40, %dot_general3A_41 {dimension_numbers = #tpu.dot_dimension_numbers<[1], [1], [0], [0], [0, 0, 1, 0], [], []>, transpose_lhs_hint = false} : vector<256x128xf32>, vector<512x128xf32>, vector<256x512xf32> -> vector<256x512xf32>
    %add3A_43 = arith.addf %add3A_28, %dot_general3A_42 : vector<256x512xf32>
    %get3A_44 = arith.constant 0 : index
    %get3A_45 = arith.constant 1 : index
    %get3A_46 = arith.constant 0 : index
    %get3A_47 = arith.constant 0 : index
    %get3A_48 = vector.load %arg1[%get3A_44, %get3A_45, %get3A_46, %get3A_47] : memref<4x10x10x128xf32, #tpu.memory_space<vmem>>, vector<4x8x8x128xf32>
    %reshape3A_49 = vector.shape_cast %get3A_48 : vector<4x8x8x128xf32> to vector<256x128xf32>
    %get3A_50 = arith.constant 1 : index
    %get3A_51 = arith.constant 0 : index
    %get3A_52 = arith.constant 0 : index
    %get3A_53 = arith.constant 0 : index
    %get3A_54 = vector.load %arg2[%get3A_50, %get3A_51, %get3A_52, %get3A_53] : memref<3x3x512x128xf32, #tpu.memory_space<vmem>>, vector<1x1x512x128xf32>
    %get3A_55 = vector.shape_cast %get3A_54 : vector<1x1x512x128xf32> to vector<512x128xf32>
    %dot_general3A_56 = arith.constant dense<0.000000e+00> : vector<256x512xf32>
    %dot_general3A_57 = tpu.matmul %reshape3A_49, %get3A_55, %dot_general3A_56 {dimension_numbers = #tpu.dot_dimension_numbers<[1], [1], [0], [0], [0, 0, 1, 0], [], []>, transpose_lhs_hint = false} : vector<256x128xf32>, vector<512x128xf32>, vector<256x512xf32> -> vector<256x512xf32>
    %add3A_58 = arith.addf %add3A_43, %dot_general3A_57 : vector<256x512xf32>
    %get3A_59 = arith.constant 0 : index
    %get3A_60 = arith.constant 1 : index
    %get3A_61 = arith.constant 1 : index
    %get3A_62 = arith.constant 0 : index
    %get3A_63 = vector.load %arg1[%get3A_59, %get3A_60, %get3A_61, %get3A_62] : memref<4x10x10x128xf32, #tpu.memory_space<vmem>>, vector<4x8x8x128xf32>
    %reshape3A_64 = vector.shape_cast %get3A_63 : vector<4x8x8x128xf32> to vector<256x128xf32>
    %get3A_65 = arith.constant 1 : index
    %get3A_66 = arith.constant 1 : index
    %get3A_67 = arith.constant 0 : index
    %get3A_68 = arith.constant 0 : index
    %get3A_69 = vector.load %arg2[%get3A_65, %get3A_66, %get3A_67, %get3A_68] : memref<3x3x512x128xf32, #tpu.memory_space<vmem>>, vector<1x1x512x128xf32>
    %get3A_70 = vector.shape_cast %get3A_69 : vector<1x1x512x128xf32> to vector<512x128xf32>
    %dot_general3A_71 = arith.constant dense<0.000000e+00> : vector<256x512xf32>
    %dot_general3A_72 = tpu.matmul %reshape3A_64, %get3A_70, %dot_general3A_71 {dimension_numbers = #tpu.dot_dimension_numbers<[1], [1], [0], [0], [0, 0, 1, 0], [], []>, transpose_lhs_hint = false} : vector<256x128xf32>, vector<512x128xf32>, vector<256x512xf32> -> vector<256x512xf32>
    %add3A_73 = arith.addf %add3A_58, %dot_general3A_72 : vector<256x512xf32>
    %get3A_74 = arith.constant 0 : index
    %get3A_75 = arith.constant 1 : index
    %get3A_76 = arith.constant 2 : index
    %get3A_77 = arith.constant 0 : index
    %get3A_78 = vector.load %arg1[%get3A_74, %get3A_75, %get3A_76, %get3A_77] : memref<4x10x10x128xf32, #tpu.memory_space<vmem>>, vector<4x8x8x128xf32>
    %reshape3A_79 = vector.shape_cast %get3A_78 : vector<4x8x8x128xf32> to vector<256x128xf32>
    %get3A_80 = arith.constant 1 : index
    %get3A_81 = arith.constant 2 : index
    %get3A_82 = arith.constant 0 : index
    %get3A_83 = arith.constant 0 : index
    %get3A_84 = vector.load %arg2[%get3A_80, %get3A_81, %get3A_82, %get3A_83] : memref<3x3x512x128xf32, #tpu.memory_space<vmem>>, vector<1x1x512x128xf32>
    %get3A_85 = vector.shape_cast %get3A_84 : vector<1x1x512x128xf32> to vector<512x128xf32>
    %dot_general3A_86 = arith.constant dense<0.000000e+00> : vector<256x512xf32>
    %dot_general3A_87 = tpu.matmul %reshape3A_79, %get3A_85, %dot_general3A_86 {dimension_numbers = #tpu.dot_dimension_numbers<[1], [1], [0], [0], [0, 0, 1, 0], [], []>, transpose_lhs_hint = false} : vector<256x128xf32>, vector<512x128xf32>, vector<256x512xf32> -> vector<256x512xf32>
    %add3A_88 = arith.addf %add3A_73, %dot_general3A_87 : vector<256x512xf32>
    %get3A_89 = arith.constant 0 : index
    %get3A_90 = arith.constant 2 : index
    %get3A_91 = arith.constant 0 : index
    %get3A_92 = arith.constant 0 : index
    %get3A_93 = vector.load %arg1[%get3A_89, %get3A_90, %get3A_91, %get3A_92] : memref<4x10x10x128xf32, #tpu.memory_space<vmem>>, vector<4x8x8x128xf32>
    %reshape3A_94 = vector.shape_cast %get3A_93 : vector<4x8x8x128xf32> to vector<256x128xf32>
    %get3A_95 = arith.constant 2 : index
    %get3A_96 = arith.constant 0 : index
    %get3A_97 = arith.constant 0 : index
    %get3A_98 = arith.constant 0 : index
    %get3A_99 = vector.load %arg2[%get3A_95, %get3A_96, %get3A_97, %get3A_98] : memref<3x3x512x128xf32, #tpu.memory_space<vmem>>, vector<1x1x512x128xf32>
    %get3A_100 = vector.shape_cast %get3A_99 : vector<1x1x512x128xf32> to vector<512x128xf32>
    %dot_general3A_101 = arith.constant dense<0.000000e+00> : vector<256x512xf32>
    %dot_general3A_102 = tpu.matmul %reshape3A_94, %get3A_100, %dot_general3A_101 {dimension_numbers = #tpu.dot_dimension_numbers<[1], [1], [0], [0], [0, 0, 1, 0], [], []>, transpose_lhs_hint = false} : vector<256x128xf32>, vector<512x128xf32>, vector<256x512xf32> -> vector<256x512xf32>
    %add3A_103 = arith.addf %add3A_88, %dot_general3A_102 : vector<256x512xf32>
    %get3A_104 = arith.constant 0 : index
    %get3A_105 = arith.constant 2 : index
    %get3A_106 = arith.constant 1 : index
    %get3A_107 = arith.constant 0 : index
    %get3A_108 = vector.load %arg1[%get3A_104, %get3A_105, %get3A_106, %get3A_107] : memref<4x10x10x128xf32, #tpu.memory_space<vmem>>, vector<4x8x8x128xf32>
    %reshape3A_109 = vector.shape_cast %get3A_108 : vector<4x8x8x128xf32> to vector<256x128xf32>
    %get3A_110 = arith.constant 2 : index
    %get3A_111 = arith.constant 1 : index
    %get3A_112 = arith.constant 0 : index
    %get3A_113 = arith.constant 0 : index
    %get3A_114 = vector.load %arg2[%get3A_110, %get3A_111, %get3A_112, %get3A_113] : memref<3x3x512x128xf32, #tpu.memory_space<vmem>>, vector<1x1x512x128xf32>
    %get3A_115 = vector.shape_cast %get3A_114 : vector<1x1x512x128xf32> to vector<512x128xf32>
    %dot_general3A_116 = arith.constant dense<0.000000e+00> : vector<256x512xf32>
    %dot_general3A_117 = tpu.matmul %reshape3A_109, %get3A_115, %dot_general3A_116 {dimension_numbers = #tpu.dot_dimension_numbers<[1], [1], [0], [0], [0, 0, 1, 0], [], []>, transpose_lhs_hint = false} : vector<256x128xf32>, vector<512x128xf32>, vector<256x512xf32> -> vector<256x512xf32>
    %add3A_118 = arith.addf %add3A_103, %dot_general3A_117 : vector<256x512xf32>
    %get3A_119 = arith.constant 0 : index
    %get3A_120 = arith.constant 2 : index
    %get3A_121 = arith.constant 2 : index
    %get3A_122 = arith.constant 0 : index
    %get3A_123 = vector.load %arg1[%get3A_119, %get3A_120, %get3A_121, %get3A_122] : memref<4x10x10x128xf32, #tpu.memory_space<vmem>>, vector<4x8x8x128xf32>
    %reshape3A_124 = vector.shape_cast %get3A_123 : vector<4x8x8x128xf32> to vector<256x128xf32>
    %get3A_125 = arith.constant 2 : index
    %get3A_126 = arith.constant 2 : index
    %get3A_127 = arith.constant 0 : index
    %get3A_128 = arith.constant 0 : index
    %get3A_129 = vector.load %arg2[%get3A_125, %get3A_126, %get3A_127, %get3A_128] : memref<3x3x512x128xf32, #tpu.memory_space<vmem>>, vector<1x1x512x128xf32>
    %get3A_130 = vector.shape_cast %get3A_129 : vector<1x1x512x128xf32> to vector<512x128xf32>
    %dot_general3A_131 = arith.constant dense<0.000000e+00> : vector<256x512xf32>
    %dot_general3A_132 = tpu.matmul %reshape3A_124, %get3A_130, %dot_general3A_131 {dimension_numbers = #tpu.dot_dimension_numbers<[1], [1], [0], [0], [0, 0, 1, 0], [], []>, transpose_lhs_hint = false} : vector<256x128xf32>, vector<512x128xf32>, vector<256x512xf32> -> vector<256x512xf32>
    %add3A_133 = arith.addf %add3A_118, %dot_general3A_132 : vector<256x512xf32>
    %get3A_134 = arith.constant 0 : index
    %get3A_135 = arith.constant 0 : index
    %get3A_136 = vector.load %arg11[%get3A_134, %get3A_135] : memref<256x512xf32, #tpu.memory_space<vmem>>, vector<256x512xf32>
    %add3A_137 = arith.addf %get3A_136, %add3A_133 : vector<256x512xf32>
    %swap3A = arith.constant 0 : index
    %swap3A_138 = arith.constant 0 : index
    %swap3A_139 = vector.load %arg11[%swap3A, %swap3A_138] : memref<256x512xf32, #tpu.memory_space<vmem>>, vector<256x512xf32>
    tpu.vector_store %arg11[%swap3A, %swap3A_138], %add3A_137 {strides = array<i32>} : memref<256x512xf32, #tpu.memory_space<vmem>>, vector<256x512xf32>,
    %eq3A_140 = arith.constant 15 : i32
    %eq3A_141 = arith.cmpi eq, %arg0, %eq3A_140 : i32
    %convert_element_type3A_142 = arith.extui %eq3A_141 : i1 to i32
    %cond3A_143 = arith.constant 0 : i32
    %cond3A_144 = arith.cmpi ne, %convert_element_type3A_142, %cond3A_143 : i32
    scf.if %cond3A_144 {
      %get3A_145 = arith.constant 0 : index
      %get3A_146 = arith.constant 0 : index
      %get3A_147 = vector.load %arg11[%get3A_145, %get3A_146] : memref<256x512xf32, #tpu.memory_space<vmem>>, vector<256x512xf32>
      %get3A_148 = arith.constant 0 : index
      %get3A_149 = arith.constant 0 : index
      %get3A_150 = vector.load %arg3[%get3A_148, %get3A_149] : memref<1x512xf32, #tpu.memory_space<vmem>>, vector<1x512xf32>
      %add3A_151 = vector.broadcast %get3A_150 : vector<1x512xf32> to vector<256x512xf32>
      %add3A_152 = arith.addf %get3A_147, %add3A_151 : vector<256x512xf32>
      %get3A_153 = arith.constant 0 : index
      %get3A_154 = arith.constant 0 : index
      %get3A_155 = vector.load %arg4[%get3A_153, %get3A_154] : memref<512x18xf32, #tpu.memory_space<vmem>>, vector<512x18xf32>
      %dot_general3A_156 = arith.constant dense<0.000000e+00> : vector<256x18xf32>
      %dot_general3A_157 = tpu.matmul %add3A_152, %get3A_155, %dot_general3A_156 {dimension_numbers = #tpu.dot_dimension_numbers<[1], [0], [0], [1], [0, 0, 1, 1], [], []>, transpose_lhs_hint = false} : vector<256x512xf32>, vector<512x18xf32>, vector<256x18xf32> -> vector<256x18xf32>
      %get3A_158 = arith.constant 0 : index
      %get3A_159 = arith.constant 0 : index
      %get3A_160 = vector.load %arg5[%get3A_158, %get3A_159] : memref<1x18xf32, #tpu.memory_space<vmem>>, vector<1x18xf32>
      %add3A_161 = vector.broadcast %get3A_160 : vector<1x18xf32> to vector<256x18xf32>
      %add3A_162 = arith.addf %dot_general3A_157, %add3A_161 : vector<256x18xf32>
      %get3A_163 = arith.constant 0 : index
      %get3A_164 = arith.constant 0 : index
      %get3A_165 = vector.load %arg6[%get3A_163, %get3A_164] : memref<512x36xf32, #tpu.memory_space<vmem>>, vector<512x36xf32>
      %dot_general3A_166 = arith.constant dense<0.000000e+00> : vector<256x36xf32>
      %dot_general3A_167 = tpu.matmul %add3A_152, %get3A_165, %dot_general3A_166 {dimension_numbers = #tpu.dot_dimension_numbers<[1], [0], [0], [1], [0, 0, 1, 1], [], []>, transpose_lhs_hint = false} : vector<256x512xf32>, vector<512x36xf32>, vector<256x36xf32> -> vector<256x36xf32>
      %get3A_168 = arith.constant 0 : index
      %get3A_169 = arith.constant 0 : index
      %get3A_170 = vector.load %arg7[%get3A_168, %get3A_169] : memref<1x36xf32, #tpu.memory_space<vmem>>, vector<1x36xf32>
      %add3A_171 = vector.broadcast %get3A_170 : vector<1x36xf32> to vector<256x36xf32>
      %add3A_172 = arith.addf %dot_general3A_167, %add3A_171 : vector<256x36xf32>
      %swap3A_173 = arith.constant 0 : index
      %swap3A_174 = arith.constant 0 : index
      %swap3A_175 = vector.load %arg9[%swap3A_173, %swap3A_174] : memref<256x18xf32, #tpu.memory_space<vmem>>, vector<256x18xf32>
      tpu.vector_store %arg9[%swap3A_173, %swap3A_174], %add3A_162 {strides = array<i32>} : memref<256x18xf32, #tpu.memory_space<vmem>>, vector<256x18xf32>,
      %get3A_176 = arith.constant 0 : index
      %get3A_177 = arith.constant 0 : index
      %get3A_178 = vector.load %arg8[%get3A_176, %get3A_177] : memref<256x36xf32, #tpu.memory_space<vmem>>, vector<256x36xf32>
      %reshape3A_179 = vector.shape_cast %get3A_178 : vector<256x36xf32> to vector<256x9x4xf32>
      %reshape3A_180 = vector.shape_cast %add3A_172 : vector<256x36xf32> to vector<256x9x4xf32>
      %slice3A = vector.extract_strided_slice %reshape3A_179 {offsets = [0, 0, 0], sizes = [256, 9, 1], strides = [1, 1, 1]} : vector<256x9x4xf32> to vector<256x9x1xf32>
      %squeeze3A = vector.shape_cast %slice3A : vector<256x9x1xf32> to vector<256x9xf32>
      %slice3A_181 = vector.extract_strided_slice %reshape3A_179 {offsets = [0, 0, 1], sizes = [256, 9, 1], strides = [1, 1, 1]} : vector<256x9x4xf32> to vector<256x9x1xf32>
      %squeeze3A_182 = vector.shape_cast %slice3A_181 : vector<256x9x1xf32> to vector<256x9xf32>
      %slice3A_183 = vector.extract_strided_slice %reshape3A_179 {offsets = [0, 0, 2], sizes = [256, 9, 1], strides = [1, 1, 1]} : vector<256x9x4xf32> to vector<256x9x1xf32>
      %squeeze3A_184 = vector.shape_cast %slice3A_183 : vector<256x9x1xf32> to vector<256x9xf32>
      %slice3A_185 = vector.extract_strided_slice %reshape3A_179 {offsets = [0, 0, 3], sizes = [256, 9, 1], strides = [1, 1, 1]} : vector<256x9x4xf32> to vector<256x9x1xf32>
      %squeeze3A_186 = vector.shape_cast %slice3A_185 : vector<256x9x1xf32> to vector<256x9xf32>
      %slice3A_187 = vector.extract_strided_slice %reshape3A_180 {offsets = [0, 0, 0], sizes = [256, 9, 1], strides = [1, 1, 1]} : vector<256x9x4xf32> to vector<256x9x1xf32>
      %squeeze3A_188 = vector.shape_cast %slice3A_187 : vector<256x9x1xf32> to vector<256x9xf32>
      %mul3A = arith.mulf %squeeze3A_188, %squeeze3A_184 : vector<256x9xf32>
      %add3A_189 = arith.addf %squeeze3A, %mul3A : vector<256x9xf32>
      %slice3A_190 = vector.extract_strided_slice %reshape3A_180 {offsets = [0, 0, 1], sizes = [256, 9, 1], strides = [1, 1, 1]} : vector<256x9x4xf32> to vector<256x9x1xf32>
      %squeeze3A_191 = vector.shape_cast %slice3A_190 : vector<256x9x1xf32> to vector<256x9xf32>
      %mul3A_192 = arith.mulf %squeeze3A_191, %squeeze3A_186 : vector<256x9xf32>
      %add3A_193 = arith.addf %squeeze3A_182, %mul3A_192 : vector<256x9xf32>
      %slice3A_194 = vector.extract_strided_slice %reshape3A_180 {offsets = [0, 0, 2], sizes = [256, 9, 1], strides = [1, 1, 1]} : vector<256x9x4xf32> to vector<256x9x1xf32>
      %squeeze3A_195 = vector.shape_cast %slice3A_194 : vector<256x9x1xf32> to vector<256x9xf32>
      %exp3A = math.exp %squeeze3A_195 : vector<256x9xf32>
      %mul3A_196 = arith.mulf %exp3A, %squeeze3A_184 : vector<256x9xf32>
      %slice3A_197 = vector.extract_strided_slice %reshape3A_180 {offsets = [0, 0, 3], sizes = [256, 9, 1], strides = [1, 1, 1]} : vector<256x9x4xf32> to vector<256x9x1xf32>
      %squeeze3A_198 = vector.shape_cast %slice3A_197 : vector<256x9x1xf32> to vector<256x9xf32>
      %exp3A_199 = math.exp %squeeze3A_198 : vector<256x9xf32>
      %mul3A_200 = arith.mulf %exp3A_199, %squeeze3A_186 : vector<256x9xf32>
      %mul3A_201 = arith.constant 5.000000e-01 : f32
      %mul3A_202 = vector.broadcast %mul3A_201 : f32 to vector<256x9xf32>
      %mul3A_203 = arith.mulf %mul3A_202, %mul3A_196 : vector<256x9xf32>
      %sub3A = arith.subf %add3A_189, %mul3A_203 : vector<256x9xf32>
      %mul3A_204 = arith.constant 5.000000e-01 : f32
      %mul3A_205 = vector.broadcast %mul3A_204 : f32 to vector<256x9xf32>
      %mul3A_206 = arith.mulf %mul3A_205, %mul3A_200 : vector<256x9xf32>
      %sub3A_207 = arith.subf %add3A_193, %mul3A_206 : vector<256x9xf32>
      %mul3A_208 = arith.constant 5.000000e-01 : f32
      %mul3A_209 = vector.broadcast %mul3A_208 : f32 to vector<256x9xf32>
      %mul3A_210 = arith.mulf %mul3A_209, %mul3A_196 : vector<256x9xf32>
      %add3A_211 = arith.addf %add3A_189, %mul3A_210 : vector<256x9xf32>
      %mul3A_212 = arith.constant 5.000000e-01 : f32
      %mul3A_213 = vector.broadcast %mul3A_212 : f32 to vector<256x9xf32>
      %mul3A_214 = arith.mulf %mul3A_213, %mul3A_200 : vector<256x9xf32>
      %add3A_215 = arith.addf %add3A_193, %mul3A_214 : vector<256x9xf32>
      %stack3A = vector.shape_cast %sub3A : vector<256x9xf32> to vector<256x9x1xf32>
      %stack3A_216 = vector.shape_cast %sub3A_207 : vector<256x9xf32> to vector<256x9x1xf32>
      %stack3A_217 = vector.shape_cast %add3A_211 : vector<256x9xf32> to vector<256x9x1xf32>
      %stack3A_218 = vector.shape_cast %add3A_215 : vector<256x9xf32> to vector<256x9x1xf32>
      %stack3A_219 = tpu.concatenate %stack3A, %stack3A_216, %stack3A_217, %stack3A_218 in 2 : vector<256x9x1xf32>, vector<256x9x1xf32>, vector<256x9x1xf32>, vector<256x9x1xf32> -> vector<256x9x4xf32>
      %reshape3A_220 = vector.shape_cast %stack3A_219 : vector<256x9x4xf32> to vector<256x36xf32>
      %swap3A_221 = arith.constant 0 : index
      %swap3A_222 = arith.constant 0 : index
      %swap3A_223 = vector.load %arg10[%swap3A_221, %swap3A_222] : memref<256x36xf32, #tpu.memory_space<vmem>>, vector<256x36xf32>
      tpu.vector_store %arg10[%swap3A_221, %swap3A_222], %reshape3A_220 {strides = array<i32>} : memref<256x36xf32, #tpu.memory_space<vmem>>, vector<256x36xf32>,
    } else {
    }
    return
  }
  func.func @transform_0(%arg0: i32) -> (i32, i32, i32, i32) {
    %c0_i32 = arith.constant 0 : i32
    %c0_i32_0 = arith.constant 0 : i32
    %c0_i32_1 = arith.constant 0 : i32
    %c0_i32_2 = arith.constant 0 : i32
    return %c0_i32, %c0_i32_0, %c0_i32_1, %arg0 : i32, i32, i32, i32
  }
  func.func @transform_1(%arg0: i32) -> (i32, i32, i32, i32) {
    %c0_i32 = arith.constant 0 : i32
    %c0_i32_0 = arith.constant 0 : i32
    %c0_i32_1 = arith.constant 0 : i32
    %c0_i32_2 = arith.constant 0 : i32
    return %c0_i32, %c0_i32_0, %c0_i32_1, %arg0 : i32, i32, i32, i32
  }
  func.func @transform_2(%arg0: i32) -> (i32, i32) {
    %c0_i32 = arith.constant 0 : i32
    %c0_i32_0 = arith.constant 0 : i32
    %c0_i32_1 = arith.constant 0 : i32
    return %c0_i32, %c0_i32_0 : i32, i32
  }
  func.func @transform_3(%arg0: i32) -> (i32, i32) {
    %c0_i32 = arith.constant 0 : i32
    %c0_i32_0 = arith.constant 0 : i32
    %c0_i32_1 = arith.constant 0 : i32
    return %c0_i32, %c0_i32_0 : i32, i32
  }
  func.func @transform_4(%arg0: i32) -> (i32, i32) {
    %c0_i32 = arith.constant 0 : i32
    %c0_i32_0 = arith.constant 0 : i32
    %c0_i32_1 = arith.constant 0 : i32
    return %c0_i32, %c0_i32_0 : i32, i32
  }
  func.func @transform_5(%arg0: i32) -> (i32, i32) {
    %c0_i32 = arith.constant 0 : i32
    %c0_i32_0 = arith.constant 0 : i32
    %c0_i32_1 = arith.constant 0 : i32
    return %c0_i32, %c0_i32_0 : i32, i32
  }
  func.func @transform_6(%arg0: i32) -> (i32, i32) {
    %c0_i32 = arith.constant 0 : i32
    %c0_i32_0 = arith.constant 0 : i32
    %c0_i32_1 = arith.constant 0 : i32
    return %c0_i32, %c0_i32_0 : i32, i32
  }
  func.func @transform_7(%arg0: i32) -> (i32, i32) {
    %c0_i32 = arith.constant 0 : i32
    %c0_i32_0 = arith.constant 0 : i32
    %c0_i32_1 = arith.constant 0 : i32
    return %c0_i32, %c0_i32_0 : i32, i32
  }
  func.func @transform_8(%arg0: i32) -> (i32, i32) {
    %c0_i32 = arith.constant 0 : i32
    %c0_i32_0 = arith.constant 0 : i32
    %c0_i32_1 = arith.constant 0 : i32
    return %c0_i32, %c0_i32_0 : i32, i32
  }
  func.func @transform_9(%arg0: i32) -> (i32, i32) {
    %c0_i32 = arith.constant 0 : i32
    %c0_i32_0 = arith.constant 0 : i32
    %c0_i32_1 = arith.constant 0 : i32
    return %c0_i32, %c0_i32_0 : i32, i32
  }
}

module attributes {stable_mosaic.version = 14 : i64} {
  func.func @_nms_kernel(%arg0: memref<4x2048xf32, #tpu.memory_space<vmem>>, %arg1: memref<1x384xi32, #tpu.memory_space<vmem>>) attributes {dimension_semantics = [], scalar_prefetch = 0 : i64, scratch_operands = 0 : i64, tpu.core_type = #tpu.core_type<tc>} {
    %get3A = arith.constant 0 : index
    %get3A_0 = arith.constant 0 : index
    %get3A_1 = vector.load %arg0[%get3A, %get3A_0] : memref<4x2048xf32, #tpu.memory_space<vmem>>, vector<4x2048xf32>
    %slice3A = vector.extract_strided_slice %get3A_1 {offsets = [0, 0], sizes = [1, 2048], strides = [1, 1]} : vector<4x2048xf32> to vector<1x2048xf32>
    %slice3A_2 = vector.extract_strided_slice %get3A_1 {offsets = [1, 0], sizes = [1, 2048], strides = [1, 1]} : vector<4x2048xf32> to vector<1x2048xf32>
    %slice3A_3 = vector.extract_strided_slice %get3A_1 {offsets = [2, 0], sizes = [1, 2048], strides = [1, 1]} : vector<4x2048xf32> to vector<1x2048xf32>
    %slice3A_4 = vector.extract_strided_slice %get3A_1 {offsets = [3, 0], sizes = [1, 2048], strides = [1, 1]} : vector<4x2048xf32> to vector<1x2048xf32>
    %sub3A = arith.subf %slice3A_3, %slice3A : vector<1x2048xf32>
    %sub3A_5 = arith.subf %slice3A_4, %slice3A_2 : vector<1x2048xf32>
    %mul3A = arith.mulf %sub3A, %sub3A_5 : vector<1x2048xf32>
    %iota3A = tpu.iota {dimensions = array<i32: 1>} : vector<1x2048xi32>
    %iota3A_6 = tpu.iota {dimensions = array<i32: 1>} : vector<1x384xi32>
    %broadcast_in_dim3A = arith.constant 0.000000e+00 : f32
    %broadcast_in_dim3A_7 = vector.broadcast %broadcast_in_dim3A : f32 to vector<1x2048xf32>
    %broadcast_in_dim3A_8 = arith.constant 0 : i32
    %broadcast_in_dim3A_9 = vector.broadcast %broadcast_in_dim3A_8 : i32 to vector<1x384xi32>
    %scan3A = arith.constant 0 : i32
    %scan3A_10 = arith.constant 0 : i32
    %scan3A_11 = arith.constant 2000 : i32
    %scan3A_12 = arith.addi %scan3A_10, %scan3A_11 : i32
    %scan3A_13 = arith.constant 1 : i32
    %scan3A_14:3 = scf.for %scan3A_18 = %scan3A_10 to %scan3A_12 step %scan3A_13 iter_args(%scan3A_19 = %broadcast_in_dim3A_7, %scan3A_20 = %broadcast_in_dim3A_9, %scan3A_21 = %scan3A) -> (vector<1x2048xf32>, vector<1x384xi32>, i32)  : i32 {
      %eq3A = vector.broadcast %scan3A_18 : i32 to vector<1x2048xi32>
      %eq3A_22 = arith.cmpi eq, %iota3A, %eq3A : vector<1x2048xi32>
      %convert_element_type3A = arith.extui %eq3A_22 : vector<1x2048xi1> to vector<1x2048xi32>
      %convert_element_type3A_23 = arith.sitofp %convert_element_type3A : vector<1x2048xi32> to vector<1x2048xf32>
      %mul3A_24 = arith.mulf %slice3A, %convert_element_type3A_23 : vector<1x2048xf32>
      %reduce_sum3A = vector.shape_cast %mul3A_24 : vector<1x2048xf32> to vector<1x1x2048xf32>
      %reduce_sum3A_25 = arith.constant dense<0.000000e+00> : vector<1xf32>
      %reduce_sum3A_26 = vector.multi_reduction <add>, %reduce_sum3A, %reduce_sum3A_25 [1, 2] : vector<1x1x2048xf32> to vector<1xf32>
      %reduce_sum3A_27 = vector.shape_cast %reduce_sum3A_26 : vector<1xf32> to vector<1x1x1xf32>
      %reduce_sum3A_28 = vector.extract %reduce_sum3A_27[0, 0, 0] : f32 from vector<1x1x1xf32>
      %mul3A_29 = arith.mulf %slice3A_2, %convert_element_type3A_23 : vector<1x2048xf32>
      %reduce_sum3A_30 = vector.shape_cast %mul3A_29 : vector<1x2048xf32> to vector<1x1x2048xf32>
      %reduce_sum3A_31 = arith.constant dense<0.000000e+00> : vector<1xf32>
      %reduce_sum3A_32 = vector.multi_reduction <add>, %reduce_sum3A_30, %reduce_sum3A_31 [1, 2] : vector<1x1x2048xf32> to vector<1xf32>
      %reduce_sum3A_33 = vector.shape_cast %reduce_sum3A_32 : vector<1xf32> to vector<1x1x1xf32>
      %reduce_sum3A_34 = vector.extract %reduce_sum3A_33[0, 0, 0] : f32 from vector<1x1x1xf32>
      %mul3A_35 = arith.mulf %slice3A_3, %convert_element_type3A_23 : vector<1x2048xf32>
      %reduce_sum3A_36 = vector.shape_cast %mul3A_35 : vector<1x2048xf32> to vector<1x1x2048xf32>
      %reduce_sum3A_37 = arith.constant dense<0.000000e+00> : vector<1xf32>
      %reduce_sum3A_38 = vector.multi_reduction <add>, %reduce_sum3A_36, %reduce_sum3A_37 [1, 2] : vector<1x1x2048xf32> to vector<1xf32>
      %reduce_sum3A_39 = vector.shape_cast %reduce_sum3A_38 : vector<1xf32> to vector<1x1x1xf32>
      %reduce_sum3A_40 = vector.extract %reduce_sum3A_39[0, 0, 0] : f32 from vector<1x1x1xf32>
      %mul3A_41 = arith.mulf %slice3A_4, %convert_element_type3A_23 : vector<1x2048xf32>
      %reduce_sum3A_42 = vector.shape_cast %mul3A_41 : vector<1x2048xf32> to vector<1x1x2048xf32>
      %reduce_sum3A_43 = arith.constant dense<0.000000e+00> : vector<1xf32>
      %reduce_sum3A_44 = vector.multi_reduction <add>, %reduce_sum3A_42, %reduce_sum3A_43 [1, 2] : vector<1x1x2048xf32> to vector<1xf32>
      %reduce_sum3A_45 = vector.shape_cast %reduce_sum3A_44 : vector<1xf32> to vector<1x1x1xf32>
      %reduce_sum3A_46 = vector.extract %reduce_sum3A_45[0, 0, 0] : f32 from vector<1x1x1xf32>
      %sub3A_47 = arith.subf %reduce_sum3A_40, %reduce_sum3A_28 : f32
      %sub3A_48 = arith.subf %reduce_sum3A_46, %reduce_sum3A_34 : f32
      %mul3A_49 = arith.mulf %sub3A_47, %sub3A_48 : f32
      %mul3A_50 = arith.mulf %scan3A_19, %convert_element_type3A_23 : vector<1x2048xf32>
      %reduce_sum3A_51 = vector.shape_cast %mul3A_50 : vector<1x2048xf32> to vector<1x1x2048xf32>
      %reduce_sum3A_52 = arith.constant dense<0.000000e+00> : vector<1xf32>
      %reduce_sum3A_53 = vector.multi_reduction <add>, %reduce_sum3A_51, %reduce_sum3A_52 [1, 2] : vector<1x1x2048xf32> to vector<1xf32>
      %reduce_sum3A_54 = vector.shape_cast %reduce_sum3A_53 : vector<1xf32> to vector<1x1x1xf32>
      %reduce_sum3A_55 = vector.extract %reduce_sum3A_54[0, 0, 0] : f32 from vector<1x1x1xf32>
      %lt3A = arith.constant 5.000000e-01 : f32
      %lt3A_56 = arith.cmpf olt, %reduce_sum3A_55, %lt3A : f32
      %max3A = vector.broadcast %reduce_sum3A_28 : f32 to vector<1x2048xf32>
      %max3A_57 = arith.maximumf %slice3A, %max3A : vector<1x2048xf32>
      %max3A_58 = vector.broadcast %reduce_sum3A_34 : f32 to vector<1x2048xf32>
      %max3A_59 = arith.maximumf %slice3A_2, %max3A_58 : vector<1x2048xf32>
      %min3A = vector.broadcast %reduce_sum3A_40 : f32 to vector<1x2048xf32>
      %min3A_60 = arith.minimumf %slice3A_3, %min3A : vector<1x2048xf32>
      %min3A_61 = vector.broadcast %reduce_sum3A_46 : f32 to vector<1x2048xf32>
      %min3A_62 = arith.minimumf %slice3A_4, %min3A_61 : vector<1x2048xf32>
      %sub3A_63 = arith.subf %min3A_60, %max3A_57 : vector<1x2048xf32>
      %max3A_64 = arith.constant 0.000000e+00 : f32
      %max3A_65 = vector.broadcast %max3A_64 : f32 to vector<1x2048xf32>
      %max3A_66 = arith.maximumf %sub3A_63, %max3A_65 : vector<1x2048xf32>
      %sub3A_67 = arith.subf %min3A_62, %max3A_59 : vector<1x2048xf32>
      %max3A_68 = arith.constant 0.000000e+00 : f32
      %max3A_69 = vector.broadcast %max3A_68 : f32 to vector<1x2048xf32>
      %max3A_70 = arith.maximumf %sub3A_67, %max3A_69 : vector<1x2048xf32>
      %mul3A_71 = arith.mulf %max3A_66, %max3A_70 : vector<1x2048xf32>
      %add3A = vector.broadcast %mul3A_49 : f32 to vector<1x2048xf32>
      %add3A_72 = arith.addf %mul3A, %add3A : vector<1x2048xf32>
      %sub3A_73 = arith.subf %add3A_72, %mul3A_71 : vector<1x2048xf32>
      %add3A_74 = arith.constant 9.99999971E-10 : f32
      %add3A_75 = vector.broadcast %add3A_74 : f32 to vector<1x2048xf32>
      %add3A_76 = arith.addf %sub3A_73, %add3A_75 : vector<1x2048xf32>
      %div3A = arith.divf %mul3A_71, %add3A_76 : vector<1x2048xf32>
      %lt3A_77 = arith.constant 300 : i32
      %lt3A_78 = arith.cmpi slt, %scan3A_21, %lt3A_77 : i32
      %and3A = arith.andi %lt3A_56, %lt3A_78 : i1
      %eq3A_79 = vector.broadcast %scan3A_21 : i32 to vector<1x384xi32>
      %eq3A_80 = arith.cmpi eq, %iota3A_6, %eq3A_79 : vector<1x384xi32>
      %and3A_81 = vector.broadcast %and3A : i1 to vector<1x384xi1>
      %and3A_82 = arith.andi %and3A_81, %eq3A_80 : vector<1x384xi1>
      %broadcast_in_dim3A_83 = vector.broadcast %scan3A_18 : i32 to vector<1x384xi32>
      %select_n3A = arith.select %and3A_82, %broadcast_in_dim3A_83, %scan3A_20 : vector<1x384xi1>, vector<1x384xi32>
      %jit3A = arith.constant 1 : i32
      %jit3A_84 = arith.constant 0 : i32
      %select_n3A_85 = arith.select %lt3A_56, %jit3A, %jit3A_84 : i32
      %add3A_86 = arith.addi %scan3A_21, %select_n3A_85 : i32
      %gt3A = arith.constant 0.699999988 : f32
      %gt3A_87 = vector.broadcast %gt3A : f32 to vector<1x2048xf32>
      %gt3A_88 = arith.cmpf ogt, %div3A, %gt3A_87 : vector<1x2048xf32>
      %and3A_89 = vector.broadcast %lt3A_56 : i1 to vector<1x2048xi1>
      %and3A_90 = arith.andi %and3A_89, %gt3A_88 : vector<1x2048xi1>
      %gt3A_91 = vector.broadcast %scan3A_18 : i32 to vector<1x2048xi32>
      %gt3A_92 = arith.cmpi sgt, %iota3A, %gt3A_91 : vector<1x2048xi32>
      %and3A_93 = arith.andi %and3A_90, %gt3A_92 : vector<1x2048xi1>
      %convert_element_type3A_94 = arith.extui %and3A_93 : vector<1x2048xi1> to vector<1x2048xi32>
      %convert_element_type3A_95 = arith.sitofp %convert_element_type3A_94 : vector<1x2048xi32> to vector<1x2048xf32>
      %max3A_96 = arith.maximumf %scan3A_19, %convert_element_type3A_95 : vector<1x2048xf32>
      scf.yield %max3A_96, %select_n3A, %add3A_86 : vector<1x2048xf32>, vector<1x384xi32>, i32
    }
    %scan3A_15 = arith.constant 2000 : i32
    %swap3A = arith.constant 0 : index
    %swap3A_16 = arith.constant 0 : index
    %swap3A_17 = vector.load %arg1[%swap3A, %swap3A_16] : memref<1x384xi32, #tpu.memory_space<vmem>>, vector<1x384xi32>
    tpu.vector_store %arg1[%swap3A, %swap3A_16], %scan3A_14#1 {strides = array<i32>} : memref<1x384xi32, #tpu.memory_space<vmem>>, vector<1x384xi32>,
    return
  }
}

</mosaic_0001>

<sc_bundles>
// kernel: gather_offload_async_start
scs
__scs_entry_jumppad:
0x0: {  	(pc) =	sbr.rel $0x88, $3  }
0x1: {  	(tag) =	ssettag $0x0;
	lr =	simm.s32 $0x1  }
0x2: {  	[smem:$0x3F9A] =	sst lr;
	_ =	strace $0xD0000000  }
0x3: {  	_ = 	snop  }
0x4: {  	_ = 	snop  }
0x5: {  	_ = 	snop  }
0x6: {  	_ = 	snop  }
0x7: {  	_ = 	snop  }
__scs_overlays_trampoline_lowered:
0x8: {  	[smem:$0x3FA9] =	sst s0  }
0x9: {  	[smem:$0x3FAA] =	sst s1  }
0xa: {  	[smem:$0x3FAB] =	sst s2  }
0xb: {  	[smem:$0x3FAC] =	sst s3  }
0xc: {  	[smem:$0x3FAD] =	sst s4  }
0xd: {  	[smem:$0x3FAE] =	sst s5  }
0xe: {  	[smem:$0x3FAF] =	sst s6  }
0xf: {  	[smem:$0x3FB0] =	sst s7  }
0x10: {  	[smem:$0x3FB1] =	sst s8  }
0x11: {  	[smem:$0x3FB2] =	sst s9;
	s0 =	simm.s32 @!p0 $0x0  }
0x12: {  	s1 =	sld [smem:$0x3F98];
	s0 =	simm.s32 @p0 $0x1  }
0x13: {  	[smem:$0x3FB3] =	sst s0;
	s0 =	simm.s32 @!p1 $0x0  }
0x14: {  	s2 =	sld [smem:$0x3F97];
	s0 =	simm.s32 @p1 $0x1  }
0x15: {  	[smem:$0x3FB4] =	sst s0;
	s0 =	simm.s32 @!p2 $0x0  }
0x16: {  	s3 =	sld [smem:$0x3FDB];
	s0 =	simm.s32 @p2 $0x1  }
0x17: {  	s4 =	simm.s32 $0x1BF5;
	[smem:$0x3FB6] =	sst s0  }
0x18: {  	s0 =	sld [smem:$0x3F99];
	_ =	swait.ge [sflag:s4], $0x0  }
0x19: {  	s7 =	sld [smem:$0x3F9A]  }
0x1a: {  	s8 =	sadd.s32 $0xFFFFE003, lr  }
0x1b: {  	s9 =	sadd.s32 $0xFFFFFEF7, lr;
	s5 =	simm.s32 $0xFFFFFFFF;
	p2 =	slt.u32 s8, $0xFFFFF086  }
0x1c: {  	p1 =	slt.u32 s9, $0xF7A;
	s5 =	simm.s32 @!p2 $0x0  }
0x1d: {  	s5 =	simm.s32 @p1 $0x1;
	p0 =	seq.s32 s7, s2  }
0x1e: {  	s7 =	smul.u32 @!p0 $0xF7A, s2;
	p2 =	seq.s32 @!p0 s5, $0x0  }
0x1f: {  	s9 =	smul.u32 $0xF7A, s1;
	s8 =	simm.s32 @!p0 $0x1BF5;
	p2 =	por !p2, p0  }
0x20: {  	[sflag:s8] =	ssyncset.s32 @!p0 $0xFFFFF086;
	s6 =	sadd.s32 @!p0 s3, s7;
	s7 =	simm.s32 @!p0 $0x108  }
0x21: {  	s3 =	sadd.s32 s3, s9;
	s6 =	sadd.s32 @!p0 $0x88, s6;
	s7 =	simm.s32 @p2 $0x1082  }
0x22: {  	[simem:s7], [sflag:s8] =	dma.local @!p0 [hbm:s6], $0xF7A  }
0x23: {  	s9 =	sor.u32 $0xD0000000, s2;
	s6 =	simm.s32 $0x108;
	_ =	swait.ge @!p0 [sflag:s8], $0x0  }
0x24: {  	s3 =	sadd.s32 $0x88, s3;
	s6 =	simm.s32 @!p1 $0x1082;
	[sflag:s4] =	ssyncset.s32 $0xFFFFF086  }
0x25: {  	[simem:s6], [sflag:s4] =	dma.local [hbm:s3], $0xF7A  }
0x26: {  	[smem:$0x3F9A] =	sst s1;
	(tag) =	ssettag s2;
	_ =	strace s9  }
0x27: {  	s1 =	sld [smem:$0x3FAA]  }
0x28: {  	s2 =	sld [smem:$0x3FAB]  }
0x29: {  	s4 =	sld [smem:$0x3FAD]  }
0x2a: {  	p0 =	seq.s32 s5, $0x0;
	s5 =	sld [smem:$0x3FAE]  }
0x2b: {  	s6 =	sld [smem:$0x3FAF]  }
0x2c: {  	s7 =	sld [smem:$0x3FB0]  }
0x2d: {  	s3 =	simm.s32 $0x108;
	s8 =	sld [smem:$0x3FB1]  }
0x2e: {  	s3 =	simm.s32 @!p0 $0x1082;
	s9 =	sld [smem:$0x3FB2]  }
0x2f: {  	lr =	sadd.s32 s0, s3;
	s0 =	sld [smem:$0x3FA9]  }
0x30: {  	s3 =	sld [smem:$0x3FAC]  }
0x31: {  	[smem:$0x3FB5] =	sst s10  }
0x32: {  	s10 =	sld [smem:$0x3FB3];
	_ =	sdelay $0x3  }
0x33: {  	p0 =	seq.s32 s10, $0x1;
	s10 =	sld [smem:$0x3FB5];
	_ =	sdelay $0x3  }
0x34: {  	[smem:$0x3FB5] =	sst s10  }
0x35: {  	s10 =	sld [smem:$0x3FB4];
	_ =	sdelay $0x3  }
0x36: {  	p1 =	seq.s32 s10, $0x1;
	s10 =	sld [smem:$0x3FB5];
	_ =	sdelay $0x3  }
0x37: {  	[smem:$0x3FB5] =	sst s10  }
0x38: {  	s10 =	sld [smem:$0x3FB6]  }
0x39: {  	_ = 	snop;
	(pc) =	sbr.ind lr, $3  }
0x3a: {  	_ = 	snop  }
0x3b: {  	_ = 	snop  }
0x3c: {  	p2 =	seq.s32 s10, $0x1;
	s10 =	sld [smem:$0x3FB5]  }
0x3d: {  	_ =	shalt  }
0x3e: {  	_ =	shalt  }
0x3f: {  	_ =	shalt  }
0x40: {  	_ =	shalt  }
0x41: {  	_ =	shalt  }
0x42: {  	_ =	shalt  }
0x43: {  	_ =	shalt  }
0x44: {  	_ =	shalt  }
0x45: {  	_ =	shalt  }
0x46: {  	_ =	shalt  }
0x47: {  	_ =	shalt  }
0x48: {  	_ =	shalt  }
0x49: {  	_ =	shalt  }
0x4a: {  	_ =	shalt  }
0x4b: {  	_ =	shalt  }
0x4c: {  	_ =	shalt  }
0x4d: {  	_ =	shalt  }
0x4e: {  	_ =	shalt  }
0x4f: {  	_ =	shalt  }
0x50: {  	_ =	shalt  }
0x51: {  	_ =	shalt  }
0x52: {  	_ =	shalt  }
0x53: {  	_ =	shalt  }
0x54: {  	_ =	shalt  }
0x55: {  	_ =	shalt  }
0x56: {  	_ =	shalt  }
0x57: {  	_ =	shalt  }
0x58: {  	_ =	shalt  }
0x59: {  	_ =	shalt  }
0x5a: {  	_ =	shalt  }
0x5b: {  	_ =	shalt  }
0x5c: {  	_ =	shalt  }
0x5d: {  	_ =	shalt  }
0x5e: {  	_ =	shalt  }
0x5f: {  	_ =	shalt  }
0x60: {  	_ =	shalt  }
0x61: {  	_ =	shalt  }
0x62: {  	_ =	shalt  }
0x63: {  	_ =	shalt  }
0x64: {  	_ =	shalt  }
0x65: {  	_ =	shalt  }
0x66: {  	_ =	shalt  }
0x67: {  	_ =	shalt  }
0x68: {  	_ =	shalt  }
0x69: {  	_ =	shalt  }
0x6a: {  	_ =	shalt  }
0x6b: {  	_ =	shalt  }
0x6c: {  	_ =	shalt  }
0x6d: {  	_ =	shalt  }
0x6e: {  	_ =	shalt  }
0x6f: {  	_ =	shalt  }
0x70: {  	_ =	shalt  }
0x71: {  	_ =	shalt  }
0x72: {  	_ =	shalt  }
0x73: {  	_ =	shalt  }
0x74: {  	_ =	shalt  }
0x75: {  	_ =	shalt  }
0x76: {  	_ =	shalt  }
0x77: {  	_ =	shalt  }
0x78: {  	_ =	shalt  }
0x79: {  	_ =	shalt  }
0x7a: {  	_ =	shalt  }
0x7b: {  	_ =	shalt  }
0x7c: {  	_ =	shalt  }
0x7d: {  	_ =	shalt  }
0x7e: {  	_ =	shalt  }
0x7f: {  	_ =	shalt  }
0x80: {  	_ =	shalt  }
0x81: {  	_ =	shalt  }
0x82: {  	_ =	shalt  }
0x83: {  	_ =	shalt  }
0x84: {  	_ =	shalt  }
0x85: {  	_ =	shalt  }
0x86: {  	_ =	shalt  }
0x87: {  	_ =	shalt  }
.Lfunc_end0:
.L_simem_size_0:
called_computation_lowered:
.L_overlay_start_0:
0x88: {  	s0 =	sld [smem:$0x3FD9]  }
0x89: {  	s1 =	sld [smem:$0x3FFE];
	_ =	sdelay $0x3  }
0x8a: {  	s0 =	sadd.s32 s1, s0  }
0x8b: {  	[smem:$0x3FC1] =	sst s0  }
0x8c: {  	_ = 	snop  }
0x8d: {  	s0 =	sld [smem:$0x3FD0];
	(tm) =	ssettm $0x1  }
0x8e: {  	s16 =	sld [smem:$0x3FFB];
	_ =	sdelay $0x3  }
0x8f: {  	_ =	strace s16  }
0x90: {  	s1 =	sld [smem:$0x3FFC];
	_ =	sdelay $0x3  }
0x91: {  	_ =	strace s1  }
0x92: {  	s1 =	sld [smem:$0x3FFD];
	_ =	sdelay $0x3  }
0x93: {  	_ =	strace s1  }
0x94: {  	_ =	strace $0x8FFFFFFF  }
0x95: {  	s17 =	sld [smem:$0x3FDB];
	_ =	sdelay $0x1  }
0x96: {  	s2 =	simm.s32 $_scs_section_size  }
0x97: {  	s3 =	simm.s32 $_size__tile_overlayer_lowered;
	s4 =	simm.s32 $_tile_overlayer_lowered  }
0x98: {  	s20 =	simm.s32 $0x1BFF;
	s19 =	sshll.u32 s4, $0x1;
	s1 =	sadd.s32 s2, s17  }
0x99: {  	s5 =	simm.s32 $0x0;
	s18 =	sshll.u32 s3, $0x1;
	s3 =	sadd.s32 s19, s1  }
0x9a: {  	[timem:s5], [sflag:s20] =	dma.local [hbm:s3], s18  }
0x9b: {  	_ =	swait.ge [sflag:s20], s18  }
0x9c: {  	s2 =	ssub.s32 $0x0, s18;
	[sflag:s20] =	ssyncset.done $0x0  }
0x9d: {  	[sflag:s20] =	ssyncadd.s32 s2;
	_ =	sdelay $0x1  }
0x9e: {  	s21 =	simm.s32 $0x1B8B  }
0x9f: {  	_ =	swait.ge [sflag:s21], $0x1  }
0xa0: {  	[sflag:s21] =	ssyncset.done $0x0  }
0xa1: {  	s23 =	simm.s32 $0x1B8E;
	s22 =	sld [smem:$0x3FFE];
	[sflag:s21] =	ssyncadd.s32 $0xFFFFFFFF  }
0xa2: {  	s24 =	simm.s32 $execute0_lowered;
	[smem:$0x3FD2] =	sst s23  }
0xa3: {  	s3 =	sshll.u32 s24, $0x1;
	_ =	strace $0x80000046;
	[dreg:$0x1] =	wrdreg $0xFFFFFFFF  }
0xa4: {  	s25 =	simm.s32 $_size_execute0_lowered;
	s1 =	sadd.s32 s1, s3;
	[dreg:$0x0] =	wrdreg $0x0  }
0xa5: {  	s3 =	sshll.u32 s25, $0x1;
	[dreg:$0x2] =	wrdreg s1  }
0xa6: {  	[dreg:$0x3] =	wrdreg s3  }
0xa7: {  	[dreg:$0x4] =	wrdreg $0xC0  }
0xa8: {  	_ =	task [dreg:s5], $0x5FFFF  }
0xa9: {  	[dreg:$0x1] =	wrdreg $0xFFFFFFFF  }
0xaa: {  	[dreg:$0x0] =	wrdreg $0x60  }
0xab: {  	[dreg:$0x2] =	wrdreg s0  }
0xac: {  	[dreg:$0x3] =	wrdreg s22  }
0xad: {  	[dreg:$0x4] =	wrdreg $0x9  }
0xae: {  	_ =	task.clear_ibuf [dreg:s5], $0x5FFFF;
	_ =	strace $0x90000046  }
0xaf: {  	s26 =	simm.s32 $0x9;
	_ =	strace $0x80000048  }
0xb0: {  	_ =	swait.ge [sflag:s26], $0x1  }
0xb1: {  	[sflag:s26] =	ssyncadd.s32 $0xFFFFFFFF  }
0xb2: {  	_ =	strace $0x90000048  }
0xb3: {  	_ =	sfence  }
0xb4: {  	s28 =	sld [smem:$0x0];
	_ =	sdelay $0x1  }
0xb5: {  	s29 =	srdreg.scid  }
0xb6: {  	s30 =	sshll.u32 s29, $0xD;
	s31 =	sshrl.u32 s29, $0x2  }
0xb7: {  	s2 =	sand.u32 $0x4000, s30;
	s1 =	sand.u32 $0x1, s29;
	s0 =	sadd.s32 s31, s28  }
0xb8: {  	s1 =	sor.u32 s2, s1;
	s0 =	sshll.u32 s0, $0x11  }
0xb9: {  	s0 =	sor.u32 s0, s1  }
0xba: {  	s0 =	sadd.s32 $0x8F2B, s0  }
0xbb: {  	[sflag:s0] =	ssyncadd.remote.s32 $0x1  }
0xbc: {  	_ =	sfence.sel $0xFFFF  }
0xbd: {  	[dreg:$0x0] =	wrdreg $0xFFFFFFFF;
	(pc) =	sbr.abs _section_cstart, $3  }
0xbe: {  	[dreg:$0x1] =	wrdreg $0xFFFFFFFF  }
0xbf: {  	_ =	task.clear_ibuf [dreg:s5], $0x2FFFF;
	_ =	strace $0x9FFFFFFF  }
0xc0: {  	(tm) =	ssettm $0x7FFFFFFF  }
0xc1: {  	_ =	shalt  }
tec
execute0_lowered:
.L_overlay_start_1:
0x0: {  	(tag) =	ssettag $0x1  }
0x1: {  	s0 =	stileid.u32  }
0x2: {  	s1 =	smin.u32 s0, $0x9  }
0x3: {  	s1 =	sadd.s32 s0, s1  }
0x4: {  	s2 =	simm.s32 $0xA0;
	p0 =	slt.u32 s0, $0x9;
	s1 =	smul.u32 $0x50, s1  }
0x5: {  	s2 =	simm.s32 @!p0 $0x50  }
0x6: {  	s2 =	sadd.s32 s2, s1  }
0x7: {  	s3 =	smin.u32 s2, $0x7D0  }
0x8: {  	s7 =	ssub.s32 s3, s1  }
0x9: {  	p0 =	sgt.s32 s7, $0x0  }
0xa: {  	s7 =	simm.s32 @!p0 $0x0  }
0xb: {  	s4 =	rddreg [dreg:$0x0];
	s31 =	smul.u32 $0xCCCD, s7  }
0xc: {  	s5 =	rddreg [dreg:$0x1]  }
0xd: {  	s6 =	simm.s32 $0x1;
	s10 =	simm.s32 $0x3;
	s8 =	sshrl.u32 s31, $0x16  }
0xe: {  	s13 =	simm.s32 $0x0;
	s12 =	simm.s32 $0x0;
	s9 =	smul.u32 $0x50, s8  }
.Ltmp0:
0xf: {  	s11 =	smov.u32 s1;
	s2 =	rddreg [dreg:$0x2];
	(pc) =	sbr.rel .LBB2_1-.Ltmp0, $4  }
0x10: {  	_ =	strace $0x80000047;
	p0 =	sne.s32 s7, s9;
	s9 =	simm.s32 $0x1  }
0x11: {  	[sflag:s6] =	ssyncpa.u1 $0x0;
	s7 =	simm.s32 $0x2;
	s9 =	simm.s32 @!p0 $0x0  }
0x12: {  	[sflag:s7] =	ssyncpa.u1 $0x0;
	p0 =	por $0x0, $0x0;
	s8 =	sadd.s32 s8, s9  }
0x13: {  	vm0 =	vmmov $0xff;
	vm1 =	vcmask $0x3F20;
	s9 =	sadd.s32 $0x200, s5;
	[sflag:s10] =	ssyncpa.u1 $0x0;
	s10 =	sadd.s32 $0x1, s8  }
.LBB2_6:
0x14: {  	[hbm:s17] =	stream.linear.scatter [tilespmem:s14], [sflag:$0x3], $0x400, $0x38;
	[tilespmem:$0x50A0] =	vst v63  }
.LBB2_7:
0x15: {  	s13 =	sadd.s32 $0x50, s11  }
0x16: {  	s15 =	smov.u32 s1;
	p2 =	slt.s32 s13, s3  }
0x17: {  	s15 =	smov.u32 @p2 s13;
	p2 =	sne.s32 s12, s10  }
.Ltmp1:
0x18: {  	p1 =	slt.u32 s12, $0x2;
	(pc) =	sbr.rel @!p2 .LBB2_8-.Ltmp1, $4  }
0x19: {  	s14 =	simm.s32 @!p1 $0x3  }
0x1a: {  	s16 =	sadd.s32 $0x1, s12;
	_ =	swait.ge @!p1 [sflag:s14], $0x2800  }
0x1b: {  	p0 =	por !p0, !p0;
	s13 =	smov.u32 s11;
	[sflag:s14] =	ssyncset.done @!p1 $0x0  }
0x1c: {  	s12 =	smov.u32 s16;
	s11 =	smov.u32 s15;
	[sflag:s14] =	ssyncadd.s32 @!p1 $0xFFFFD800  }
.LBB2_1:
0x1d: {  	p1 =	sge.u32 s12, s8  }
0x1e: {  	s14 =	sxor.u32 @!p1 $0xFFFFFFFF, s12  }
0x1f: {  	s14 =	sand.u32 @!p1 $0x1, s14  }
0x20: {  	s14 =	smul.u32 @!p1 $0x140, s14  }
0x21: {  	s31 =	sadd.s32 $0xFFFFFFFF, s12;
	s15 =	sshrl.u32 @!p1 s11, $0x3  }
0x22: {  	s16 =	sand.u32 @!p1 $0x7, s11;
	s15 =	sadd.s32 @!p1 s5, s15;
	s14 =	sshrl.u32 @!p1 s14, $0x2  }
0x23: {  	[tilespmem:s14], [sflag:$0x2] =	stream.linear.gather @!p1 [hbm4b:s15+s16], $0x50, $0x38;
	[tilespmem:$0x50A0] =	vst v63  }
0x24: {  	p1 =	sge.u32 s31, s8  }
.Ltmp2:
0x25: {  	_ = 	snop;
	(pc) =	sbr.rel @p1 .LBB2_7-.Ltmp2, $1  }
0x26: {  	_ =	sdelay $0x3  }
0x27: {  	s14 =	simm.s32 $0x1  }
0x28: {  	s14 =	simm.s32 @!p0 $0x0  }
0x29: {  	s15 =	smul.u32 $0x140, s14  }
0x2a: {  	_ =	swait.ge [sflag:s7], $0x50  }
0x2b: {  	[sflag:s7] =	ssyncset.done $0x0;
	s16 =	sshrl.u32 s15, $0x2  }
0x2c: {  	[sflag:s7] =	ssyncadd.s32 $0xFFFFFFB0;
	s15 =	sadd.s32 $0x0, s16  }
0x2d: {  	v0 =	vld.msk [tilespmem:s15+$0x0 ss:$0x1], $0xffff;
	_ =	sdelay $0x4  }
0x2e: {  	vm2 =	vgt.s32 v0, $0x0  }
0x2f: {  	v0 =	vnsel vm2, $0x0, v0  }
0x30: {  	v0 =	vmin.u32 v0, $0x8FF  }
0x31: {  	v0 =	vshll.u32 v0, $0x4  }
0x32: {  	s14 =	smul.u32 $0xA000, s14;
	_ =	sdelay $0x1  }
0x33: {  	s14 =	sshrl.u32 s14, $0x2  }
0x34: {  	s14 =	sor.u32 $0xA0, s14  }
0x35: {  	[tilespmem:s14], [sflag:$0x1] =	stream.indirect_vreg.gather [hbm:s4], $0x80, v0, vm0, $0x38;
	[tilespmem:$0x50A0] =	vst v63  }
0x36: {  	s17 =	sadd.s32 $0x10, s16;
	s15 =	sadd.s32 $0x400, s14  }
0x37: {  	[tilespmem:s15], [sflag:$0x1] =	stream.indirect_vreg.gather [hbm:s4], $0x80, v0, vm1, $0x38;
	[tilespmem:$0x50A0] =	vst v63  }
0x38: {  	s18 =	simm.s32 $0x80;
	v0 =	vld.msk [tilespmem:s17+$0x0 ss:$0x1], $0xffff;
	s17 =	smov.u32 s14  }
.LBB2_3:
0x39: {  	p1 =	sne.s32 s18, $0x100;
	_ =	sdelay $0x4  }
0x3a: {  	vm2 =	vgt.s32 v0, $0x0  }
0x3b: {  	v0 =	vnsel vm2, $0x0, v0  }
0x3c: {  	v0 =	vmin.u32 v0, $0x8FF  }
0x3d: {  	v0 =	vshll.u32 v0, $0x4;
	_ =	sdelay $0x3  }
.Ltmp3:
0x3e: {  	s19 =	sshra.s32 s18, $0x2;
	s17 =	sadd.s32 $0x800, s17;
	(pc) =	sbr.rel @p1 .LBB2_3-.Ltmp3, $4  }
0x3f: {  	[tilespmem:s17], [sflag:$0x1] =	stream.indirect_vreg.gather [hbm:s4], $0x80, v0, vm0, $0x38;
	[tilespmem:$0x50A0] =	vst v63  }
0x40: {  	s19 =	sadd.s32 s19, s16;
	s20 =	sadd.s32 $0x400, s17  }
0x41: {  	[tilespmem:s20], [sflag:$0x1] =	stream.indirect_vreg.gather [hbm:s4], $0x80, v0, vm1, $0x38;
	[tilespmem:$0x50A0] =	vst v63  }
0x42: {  	s18 =	sadd.s32 $0x40, s18;
	v0 =	vld.msk [tilespmem:s19+$0x0 ss:$0x1], $0xffff  }
0x43: {  	_ =	sdelay $0x3  }
0x44: {  	vm2 =	vgt.s32 v0, $0x0  }
0x45: {  	v0 =	vnsel vm2, $0x0, v0  }
0x46: {  	v0 =	vmin.u32 v0, $0x8FF  }
0x47: {  	v0 =	vshll.u32 v0, $0x4;
	_ =	sdelay $0x3  }
0x48: {  	s16 =	sadd.s32 $0x800, s17  }
0x49: {  	[tilespmem:s16], [sflag:$0x1] =	stream.indirect_vreg.gather [hbm:s4], $0x80, v0, vm0, $0x38;
	[tilespmem:$0x50A0] =	vst v63  }
0x4a: {  	s16 =	sadd.s32 $0x400, s16  }
0x4b: {  	[tilespmem:s16], [sflag:$0x1] =	stream.indirect_vreg.gather [hbm:s4], $0x80, v0, vm1, $0x38;
	[tilespmem:$0x50A0] =	vst v63  }
0x4c: {  	s13 =	sshll.u32 s13, $0x4;
	_ =	swait.ge [sflag:s6], $0x2800  }
0x4d: {  	s13 =	sadd.s32 s13, s9;
	[sflag:s6] =	ssyncset.done $0x0  }
0x4e: {  	s17 =	sadd.s32 $0x0, s13;
	s16 =	simm.s32 $0x80;
	[sflag:s6] =	ssyncadd.s32 $0xFFFFD800  }
.LBB2_5:
0x4f: {  	[hbm:s17] =	stream.linear.scatter [tilespmem:s14], [sflag:$0x3], $0x400, $0x38;
	[tilespmem:$0x50A0] =	vst v63  }
0x50: {  	s17 =	smov.u32 s16;
	s14 =	smov.u32 s15;
	p1 =	sne.s32 s16, $0x480  }
.Ltmp4:
0x51: {  	s16 =	sadd.s32 $0x80, s16;
	(pc) =	sbr.rel @p1 .LBB2_5-.Ltmp4, $2  }
0x52: {  	_ =	sdelay $0x2  }
0x53: {  	s15 =	sadd.s32 $0x400, s15;
	s17 =	sadd.s32 s17, s13  }
.Ltmp5:
0x54: {  	_ = 	snop;
	(pc) =	sbr.rel .LBB2_6-.Ltmp5, $1  }
0x55: {  	_ =	sdelay $0x3  }
.LBB2_8:
0x56: {  	_ =	sfence.sel $0x180000  }
0x57: {  	s1 =	simm.s32 $0x2;
	[bflag:$0x0] =	sbarrier.arrive $0xFFFF  }
0x58: {  	s30 =	simm.s32 $0x3;
	[sflag:s1] =	ssyncpa.u1 $0x1  }
0x59: {  	s31 =	simm.s32 $0x1;
	[sflag:s30] =	ssyncpa.u1 $0x1  }
0x5a: {  	[sflag:s31] =	ssyncpa.u1 $0x1  }
0x5b: {  	p0 =	sne.s32 s0, $0x0;
	_ =	strace $0x90000047  }
0x5c: {  	s0 =	sadd.s32 @!p0 $0x100000, s2;
	[bflag:$0x2] =	sbarrier.arrive $0xFFFF  }
0x5d: {  	[sflag:s0] =	ssyncadd.tile.s32 @!p0 $0x1;
	_ =	shalt  }
.Lfunc_end2:
_tile_overlayer_lowered:
.L_overlay_start_2:
0x5e: {  	(tag) =	ssettag $0x2  }
0x5f: {  	s0 =	rddreg [dreg:$0x0];
	s2 =	stileid.u32  }
0x60: {  	s1 =	rddreg [dreg:$0x1];
	p0 =	sne.s32 s2, $0x0  }
0x61: {  	s3 =	rddreg [dreg:$0x2];
	[bflag:$0x3] =	sbarrier.arrive $0xFFFF;
	s2 =	simm.s32 @!p0 $0x1C01  }
0x62: {  	[timem:s3], [sflag:s2] =	dma.local @!p0 [hbm:s0], s1  }
0x63: {  	s0 =	simm.s32 @!p0 $0x1  }
0x64: {  	_ =	swait.ge @!p0 [sflag:s0], s1  }
0x65: {  	s1 =	ssub.s32 @!p0 $0x0, s1;
	[sflag:s0] =	ssyncset.done @!p0 $0x0  }
0x66: {  	[sflag:s0] =	ssyncadd.s32 @!p0 s1  }
0x67: {  	[bflag:$0x3] =	sbarrier.arrive $0xFFFF  }
0x68: {  	_ =	shalt  }

</sc_bundles>
